<compile_context>
chip_gen: v7x
topology: tpu7x:2x2x1
jax: 0.10.2.dev20260603
libtpu: 0.0.44.dev20260713+nightly
codegen_flags: <defaults>
</compile_context>

<pallas_src>
import functools

import jax
import jax.numpy as jnp
from jax import lax
from jax.experimental import pallas as pl
from jax.experimental.pallas import tpu as pltpu
from jax.experimental.pallas import tpu_sc as plsc

_NW = 32
_NBUF = 2


def kernel(tokens, lookup_table):
    B, S = tokens.shape
    V, D = lookup_table.shape
    Dp = 1024
    SL = Dp // 128
    b_per_w = B // _NW
    idx3 = tokens.astype(jnp.int32).reshape(_NW, b_per_w, S)
    table3 = jnp.pad(lookup_table, ((0, 0), (0, Dp - D))).reshape(V, SL, 128)

    mesh = plsc.VectorSubcoreMesh(core_axis_name="c", subcore_axis_name="s")

    @functools.partial(
        pl.kernel,
        mesh=mesh,
        out_type=jax.ShapeDtypeStruct((B, S, SL, 128), jnp.float32),
        scratch_types=[
            pltpu.VMEM((b_per_w, S), jnp.int32),
            pltpu.VMEM((S, SL, 128), jnp.float32),
            pltpu.VMEM((S, SL, 128), jnp.float32),
            pltpu.SemaphoreType.DMA,
            pltpu.SemaphoreType.DMA,
            pltpu.SemaphoreType.DMA,
            pltpu.SemaphoreType.DMA,
        ],
    )
    def _gather(table_hbm, idx_hbm, out_hbm, idx_v, buf0, buf1,
                gsem0, gsem1, ssem0, ssem1):
        wid = lax.axis_index("s") * 2 + lax.axis_index("c")
        base = wid * b_per_w
        pltpu.sync_copy(idx_hbm.at[wid], idx_v)

        bufs = (buf0, buf1)
        gsems = (gsem0, gsem1)
        ssems = (ssem0, ssem1)

        def start_gather(bl, p):
            pltpu.async_copy(
                table_hbm.at[idx_v.at[bl]], bufs[p], gsems[p])

        def start_scatter(bl, p):
            pltpu.async_copy(bufs[p], out_hbm.at[base + bl], ssems[p])

        def wait_gather(p):
            pltpu.make_async_copy(
                table_hbm.at[idx_v.at[0]], bufs[p], gsems[p]).wait()

        def wait_scatter(p):
            pltpu.make_async_copy(
                bufs[p], out_hbm.at[base], ssems[p]).wait()

        for p in range(_NBUF):
            start_gather(p, p)

        def body(g, carry):
            bl = g * _NBUF
            for p in range(_NBUF):
                blp = bl + p

                @pl.when(blp < b_per_w)
                def _():
                    wait_gather(p)
                    start_scatter(blp, p)
                    wait_scatter(p)

                    @pl.when(blp + _NBUF < b_per_w)
                    def _():
                        start_gather(blp + _NBUF, p)

            return carry

        lax.fori_loop(0, (b_per_w + _NBUF - 1) // _NBUF, body, 0)

    out4 = _gather(table3, idx3)
    return out4.reshape(B, S, Dp)[:, :, :D]

# --- scband reference (transcript-rebuilt; emitter-appended) ---
"""Pipeline reference for scband-bigram-language-model-249108103530 (READ-ONLY COPY).

The authoritative reference and input builder live on the scoring server;
editing this copy changes nothing except your own understanding.
"""

import jax, jax.numpy as jnp
import numpy as np

VOCAB_SIZE = 1000
BATCH = 1024
SEQ = 50

def setup_inputs(seed: int = 0) -> dict:
    key = jax.random.key(seed)
    k_tok, k_tab = jax.random.split(key)
    tokens = jax.random.randint(k_tok, (BATCH, SEQ), 0, VOCAB_SIZE, dtype=jnp.int64 if jax.config.read('jax_enable_x64') else jnp.int32)
    # nn.Embedding default init: N(0, 1)
    lookup_table = jax.random.normal(k_tab, (VOCAB_SIZE, VOCAB_SIZE), dtype=jnp.float32)
    return {"tokens": tokens, "lookup_table": lookup_table}

def reference(tokens, lookup_table):
    # BigramLanguageModel.forward: logits = self.lookup_table(tokens)
    logits = jnp.take(lookup_table, tokens, axis=0)
    return logits

if __name__ == "__main__":
    import jax
    _d = setup_inputs()
    print(jax.jit(kernel)(*tuple(_d.values())))

</pallas_src>

<mosaic_0001>
#map = affine_map<(d0, d1) -> (0, 0, 0)>
#map1 = affine_map<(d0, d1) -> (0, 0, 0, 0)>
module attributes {stable_mosaic.version = 14 : i64} {
  func.func @_gather(%arg0: i32, %arg1: i32, %arg2: memref<1000x8x128xf32, #tpu.memory_space<hbm>>, %arg3: memref<32x32x50xi32, #tpu.memory_space<hbm>>, %arg4: memref<1024x50x8x128xf32, #tpu.memory_space<hbm>>, %arg5: memref<32x50xi32, #tpu.memory_space<vmem>>, %arg6: memref<50x8x128xf32, #tpu.memory_space<vmem>>, %arg7: memref<50x8x128xf32, #tpu.memory_space<vmem>>, %arg8: memref<!tpu.dma_semaphore, #tpu.memory_space<semaphore_mem>>, %arg9: memref<!tpu.dma_semaphore, #tpu.memory_space<semaphore_mem>>, %arg10: memref<!tpu.dma_semaphore, #tpu.memory_space<semaphore_mem>>, %arg11: memref<!tpu.dma_semaphore, #tpu.memory_space<semaphore_mem>>) attributes {dimension_semantics = [#tpu.dimension_semantics<core_parallel>, #tpu.dimension_semantics<subcore_parallel>], iteration_bounds = array<i64: 2, 16>, scalar_prefetch = 0 : i64, scratch_operands = 7 : i64, tpu.core_type = #tpu.core_type<sc_vector_subcore>, window_params = [{transform_indices = #map}, {transform_indices = #map}, {transform_indices = #map1}]} {
    %mul3A = arith.constant 2 : i32
    %mul3A_0 = arith.muli %arg1, %mul3A : i32
    %add3A = arith.addi %mul3A_0, %arg0 : i32
    %mul3A_1 = arith.constant 32 : i32
    %mul3A_2 = arith.muli %add3A, %mul3A_1 : i32
    "tpu.region"() ({
      %run_scoped3A = tpu.sem_alloc : memref<!tpu.dma_semaphore, #tpu.memory_space<semaphore_mem>>
      %dma_start3A_23 = arith.constant 0 : i32
      %dma_start3A_24 = arith.constant 0 : i32
      %dma_start3A_25 = tpu.memref_slice %arg3[%add3A, %dma_start3A_23, %dma_start3A_24] : memref<32x32x50xi32, #tpu.memory_space<hbm>> -> memref<1x32x50xi32, #tpu.memory_space<hbm>>
      %dma_start3A_26 = tpu.memref_squeeze %dma_start3A_25 : memref<1x32x50xi32, #tpu.memory_space<hbm>> -> memref<32x50xi32, #tpu.memory_space<hbm>>
      %dma_start3A_27 = arith.constant 0 : i32
      %dma_start3A_28 = arith.constant 0 : i32
      %dma_start3A_29 = tpu.memref_slice %arg3[%add3A, %dma_start3A_27, %dma_start3A_28] : memref<32x32x50xi32, #tpu.memory_space<hbm>> -> memref<1x32x50xi32, #tpu.memory_space<hbm>>
      %dma_start3A_30 = tpu.memref_squeeze %dma_start3A_29 : memref<1x32x50xi32, #tpu.memory_space<hbm>> -> memref<32x50xi32, #tpu.memory_space<hbm>>
      tpu.enqueue_dma source(%dma_start3A_30 : memref<32x50xi32, #tpu.memory_space<hbm>>) target(%arg5 : memref<32x50xi32, #tpu.memory_space<vmem>>) target_semaphore(%run_scoped3A : memref<!tpu.dma_semaphore, #tpu.memory_space<semaphore_mem>>)
      %dma_wait3A = arith.constant 0 : i32
      %dma_wait3A_31 = arith.constant 0 : i32
      %dma_wait3A_32 = tpu.memref_slice %arg3[%add3A, %dma_wait3A, %dma_wait3A_31] : memref<32x32x50xi32, #tpu.memory_space<hbm>> -> memref<1x32x50xi32, #tpu.memory_space<hbm>>
      %dma_wait3A_33 = tpu.memref_squeeze %dma_wait3A_32 : memref<1x32x50xi32, #tpu.memory_space<hbm>> -> memref<32x50xi32, #tpu.memory_space<hbm>>
      %dma_wait3A_34 = arith.constant 0 : i32
      %dma_wait3A_35 = arith.constant 0 : i32
      %dma_wait3A_36 = tpu.memref_slice %arg3[%add3A, %dma_wait3A_34, %dma_wait3A_35] : memref<32x32x50xi32, #tpu.memory_space<hbm>> -> memref<1x32x50xi32, #tpu.memory_space<hbm>>
      %dma_wait3A_37 = tpu.memref_squeeze %dma_wait3A_36 : memref<1x32x50xi32, #tpu.memory_space<hbm>> -> memref<32x50xi32, #tpu.memory_space<hbm>>
      tpu.wait_dma2 semaphore(%run_scoped3A : memref<!tpu.dma_semaphore, #tpu.memory_space<semaphore_mem>>) src(%dma_wait3A_37 : memref<32x50xi32, #tpu.memory_space<hbm>>) dst(%arg5 : memref<32x50xi32, #tpu.memory_space<vmem>>)
      tpu.yield
    }) : () -> ()
    %dma_start3A = arith.constant 0 : i32
    %dma_start3A_3 = arith.constant 0 : i32
    %dma_start3A_4 = tpu.memref_slice %arg5[%dma_start3A, %dma_start3A_3] : memref<32x50xi32, #tpu.memory_space<vmem>> -> memref<1x50xi32, #tpu.memory_space<vmem>>
    %dma_start3A_5 = tpu.memref_squeeze %dma_start3A_4 : memref<1x50xi32, #tpu.memory_space<vmem>> -> memref<50xi32, #tpu.memory_space<vmem>>
    %dma_start3A_6 = arith.constant 0 : i32
    %dma_start3A_7 = arith.constant 0 : i32
    %dma_start3A_8 = arith.constant 0 : i32
    %dma_start3A_9 = tpu.memref_slice %arg2[%dma_start3A_6, %dma_start3A_7, %dma_start3A_8] : memref<1000x8x128xf32, #tpu.memory_space<hbm>> -> memref<1000x8x128xf32, #tpu.memory_space<hbm>>
    tpu.enqueue_indirect_dma source(%dma_start3A_9 : memref<1000x8x128xf32, #tpu.memory_space<hbm>>) target(%arg6 : memref<50x8x128xf32, #tpu.memory_space<vmem>>) offsets(%dma_start3A_5 : memref<50xi32, #tpu.memory_space<vmem>>) semaphore(%arg8 : memref<!tpu.dma_semaphore, #tpu.memory_space<semaphore_mem>>)
    %dma_start3A_10 = arith.constant 1 : i32
    %dma_start3A_11 = arith.constant 0 : i32
    %dma_start3A_12 = tpu.memref_slice %arg5[%dma_start3A_10, %dma_start3A_11] : memref<32x50xi32, #tpu.memory_space<vmem>> -> memref<1x50xi32, #tpu.memory_space<vmem>>
    %dma_start3A_13 = tpu.memref_squeeze %dma_start3A_12 : memref<1x50xi32, #tpu.memory_space<vmem>> -> memref<50xi32, #tpu.memory_space<vmem>>
    %dma_start3A_14 = arith.constant 0 : i32
    %dma_start3A_15 = arith.constant 0 : i32
    %dma_start3A_16 = arith.constant 0 : i32
    %dma_start3A_17 = tpu.memref_slice %arg2[%dma_start3A_14, %dma_start3A_15, %dma_start3A_16] : memref<1000x8x128xf32, #tpu.memory_space<hbm>> -> memref<1000x8x128xf32, #tpu.memory_space<hbm>>
    tpu.enqueue_indirect_dma source(%dma_start3A_17 : memref<1000x8x128xf32, #tpu.memory_space<hbm>>) target(%arg7 : memref<50x8x128xf32, #tpu.memory_space<vmem>>) offsets(%dma_start3A_13 : memref<50xi32, #tpu.memory_space<vmem>>) semaphore(%arg9 : memref<!tpu.dma_semaphore, #tpu.memory_space<semaphore_mem>>)
    %scan3A = arith.constant 0 : i32
    %scan3A_18 = arith.constant 0 : i32
    %scan3A_19 = arith.constant 16 : i32
    %scan3A_20 = arith.addi %scan3A_18, %scan3A_19 : i32
    %scan3A_21 = arith.constant 1 : i32
    scf.for %scan3A_23 = %scan3A_18 to %scan3A_20 step %scan3A_21  : i32 {
      %mul3A_24 = arith.constant 2 : i32
      %mul3A_25 = arith.muli %scan3A_23, %mul3A_24 : i32
      %add3A_26 = arith.constant 0 : i32
      %add3A_27 = arith.addi %mul3A_25, %add3A_26 : i32
      %lt3A = arith.constant 32 : i32
      %lt3A_28 = arith.cmpi slt, %add3A_27, %lt3A : i32
      %convert_element_type3A = arith.extui %lt3A_28 : i1 to i32
      %cond3A = arith.constant 0 : i32
      %cond3A_29 = arith.cmpi ne, %convert_element_type3A, %cond3A : i32
      scf.if %cond3A_29 {
        %dma_wait3A = arith.constant 0 : i32
        %dma_wait3A_37 = arith.constant 0 : i32
        %dma_wait3A_38 = tpu.memref_slice %arg5[%dma_wait3A, %dma_wait3A_37] : memref<32x50xi32, #tpu.memory_space<vmem>> -> memref<1x50xi32, #tpu.memory_space<vmem>>
        %dma_wait3A_39 = tpu.memref_squeeze %dma_wait3A_38 : memref<1x50xi32, #tpu.memory_space<vmem>> -> memref<50xi32, #tpu.memory_space<vmem>>
        %dma_wait3A_40 = arith.constant 0 : i32
        %dma_wait3A_41 = arith.constant 0 : i32
        %dma_wait3A_42 = arith.constant 0 : i32
        %dma_wait3A_43 = tpu.memref_slice %arg2[%dma_wait3A_40, %dma_wait3A_41, %dma_wait3A_42] : memref<1000x8x128xf32, #tpu.memory_space<hbm>> -> memref<1000x8x128xf32, #tpu.memory_space<hbm>>
        tpu.wait_indirect_dma semaphore(%arg8 : memref<!tpu.dma_semaphore, #tpu.memory_space<semaphore_mem>>) src(%dma_wait3A_43 : memref<1000x8x128xf32, #tpu.memory_space<hbm>>) dst(%arg6 : memref<50x8x128xf32, #tpu.memory_space<vmem>>)
        %add3A_44 = arith.addi %mul3A_2, %add3A_27 : i32
        %dma_start3A_45 = arith.constant 0 : i32
        %dma_start3A_46 = arith.constant 0 : i32
        %dma_start3A_47 = arith.constant 0 : i32
        %dma_start3A_48 = tpu.memref_slice %arg4[%add3A_44, %dma_start3A_45, %dma_start3A_46, %dma_start3A_47] : memref<1024x50x8x128xf32, #tpu.memory_space<hbm>> -> memref<1x50x8x128xf32, #tpu.memory_space<hbm>>
        %dma_start3A_49 = tpu.memref_squeeze %dma_start3A_48 : memref<1x50x8x128xf32, #tpu.memory_space<hbm>> -> memref<50x8x128xf32, #tpu.memory_space<hbm>>
        %dma_start3A_50 = arith.constant 0 : i32
        %dma_start3A_51 = arith.constant 0 : i32
        %dma_start3A_52 = arith.constant 0 : i32
        %dma_start3A_53 = tpu.memref_slice %arg4[%add3A_44, %dma_start3A_50, %dma_start3A_51, %dma_start3A_52] : memref<1024x50x8x128xf32, #tpu.memory_space<hbm>> -> memref<1x50x8x128xf32, #tpu.memory_space<hbm>>
        %dma_start3A_54 = tpu.memref_squeeze %dma_start3A_53 : memref<1x50x8x128xf32, #tpu.memory_space<hbm>> -> memref<50x8x128xf32, #tpu.memory_space<hbm>>
        tpu.enqueue_dma source(%arg6 : memref<50x8x128xf32, #tpu.memory_space<vmem>>) target(%dma_start3A_54 : memref<50x8x128xf32, #tpu.memory_space<hbm>>) target_semaphore(%arg10 : memref<!tpu.dma_semaphore, #tpu.memory_space<semaphore_mem>>)
        %dma_wait3A_55 = arith.constant 0 : i32
        %dma_wait3A_56 = arith.constant 0 : i32
        %dma_wait3A_57 = arith.constant 0 : i32
        %dma_wait3A_58 = tpu.memref_slice %arg4[%mul3A_2, %dma_wait3A_55, %dma_wait3A_56, %dma_wait3A_57] : memref<1024x50x8x128xf32, #tpu.memory_space<hbm>> -> memref<1x50x8x128xf32, #tpu.memory_space<hbm>>
        %dma_wait3A_59 = tpu.memref_squeeze %dma_wait3A_58 : memref<1x50x8x128xf32, #tpu.memory_space<hbm>> -> memref<50x8x128xf32, #tpu.memory_space<hbm>>
        %dma_wait3A_60 = arith.constant 0 : i32
        %dma_wait3A_61 = arith.constant 0 : i32
        %dma_wait3A_62 = arith.constant 0 : i32
        %dma_wait3A_63 = tpu.memref_slice %arg4[%mul3A_2, %dma_wait3A_60, %dma_wait3A_61, %dma_wait3A_62] : memref<1024x50x8x128xf32, #tpu.memory_space<hbm>> -> memref<1x50x8x128xf32, #tpu.memory_space<hbm>>
        %dma_wait3A_64 = tpu.memref_squeeze %dma_wait3A_63 : memref<1x50x8x128xf32, #tpu.memory_space<hbm>> -> memref<50x8x128xf32, #tpu.memory_space<hbm>>
        tpu.wait_dma2 semaphore(%arg10 : memref<!tpu.dma_semaphore, #tpu.memory_space<semaphore_mem>>) src(%arg6 : memref<50x8x128xf32, #tpu.memory_space<vmem>>) dst(%dma_wait3A_64 : memref<50x8x128xf32, #tpu.memory_space<hbm>>)
        %add3A_65 = arith.constant 2 : i32
        %add3A_66 = arith.addi %add3A_27, %add3A_65 : i32
        %lt3A_67 = arith.constant 32 : i32
        %lt3A_68 = arith.cmpi slt, %add3A_66, %lt3A_67 : i32
        %convert_element_type3A_69 = arith.extui %lt3A_68 : i1 to i32
        %cond3A_70 = arith.constant 0 : i32
        %cond3A_71 = arith.cmpi ne, %convert_element_type3A_69, %cond3A_70 : i32
        scf.if %cond3A_71 {
          %add3A_72 = arith.constant 2 : i32
          %add3A_73 = arith.addi %add3A_27, %add3A_72 : i32
          %dma_start3A_74 = arith.constant 0 : i32
          %dma_start3A_75 = tpu.memref_slice %arg5[%add3A_73, %dma_start3A_74] : memref<32x50xi32, #tpu.memory_space<vmem>> -> memref<1x50xi32, #tpu.memory_space<vmem>>
          %dma_start3A_76 = tpu.memref_squeeze %dma_start3A_75 : memref<1x50xi32, #tpu.memory_space<vmem>> -> memref<50xi32, #tpu.memory_space<vmem>>
          %dma_start3A_77 = arith.constant 0 : i32
          %dma_start3A_78 = arith.constant 0 : i32
          %dma_start3A_79 = arith.constant 0 : i32
          %dma_start3A_80 = tpu.memref_slice %arg2[%dma_start3A_77, %dma_start3A_78, %dma_start3A_79] : memref<1000x8x128xf32, #tpu.memory_space<hbm>> -> memref<1000x8x128xf32, #tpu.memory_space<hbm>>
          tpu.enqueue_indirect_dma source(%dma_start3A_80 : memref<1000x8x128xf32, #tpu.memory_space<hbm>>) target(%arg6 : memref<50x8x128xf32, #tpu.memory_space<vmem>>) offsets(%dma_start3A_76 : memref<50xi32, #tpu.memory_space<vmem>>) semaphore(%arg8 : memref<!tpu.dma_semaphore, #tpu.memory_space<semaphore_mem>>)
        } else {
        }
      } else {
      }
      %add3A_30 = arith.constant 1 : i32
      %add3A_31 = arith.addi %mul3A_25, %add3A_30 : i32
      %lt3A_32 = arith.constant 32 : i32
      %lt3A_33 = arith.cmpi slt, %add3A_31, %lt3A_32 : i32
      %convert_element_type3A_34 = arith.extui %lt3A_33 : i1 to i32
      %cond3A_35 = arith.constant 0 : i32
      %cond3A_36 = arith.cmpi ne, %convert_element_type3A_34, %cond3A_35 : i32
      scf.if %cond3A_36 {
        %dma_wait3A = arith.constant 0 : i32
        %dma_wait3A_37 = arith.constant 0 : i32
        %dma_wait3A_38 = tpu.memref_slice %arg5[%dma_wait3A, %dma_wait3A_37] : memref<32x50xi32, #tpu.memory_space<vmem>> -> memref<1x50xi32, #tpu.memory_space<vmem>>
        %dma_wait3A_39 = tpu.memref_squeeze %dma_wait3A_38 : memref<1x50xi32, #tpu.memory_space<vmem>> -> memref<50xi32, #tpu.memory_space<vmem>>
        %dma_wait3A_40 = arith.constant 0 : i32
        %dma_wait3A_41 = arith.constant 0 : i32
        %dma_wait3A_42 = arith.constant 0 : i32
        %dma_wait3A_43 = tpu.memref_slice %arg2[%dma_wait3A_40, %dma_wait3A_41, %dma_wait3A_42] : memref<1000x8x128xf32, #tpu.memory_space<hbm>> -> memref<1000x8x128xf32, #tpu.memory_space<hbm>>
        tpu.wait_indirect_dma semaphore(%arg9 : memref<!tpu.dma_semaphore, #tpu.memory_space<semaphore_mem>>) src(%dma_wait3A_43 : memref<1000x8x128xf32, #tpu.memory_space<hbm>>) dst(%arg7 : memref<50x8x128xf32, #tpu.memory_space<vmem>>)
        %add3A_44 = arith.addi %mul3A_2, %add3A_31 : i32
        %dma_start3A_45 = arith.constant 0 : i32
        %dma_start3A_46 = arith.constant 0 : i32
        %dma_start3A_47 = arith.constant 0 : i32
        %dma_start3A_48 = tpu.memref_slice %arg4[%add3A_44, %dma_start3A_45, %dma_start3A_46, %dma_start3A_47] : memref<1024x50x8x128xf32, #tpu.memory_space<hbm>> -> memref<1x50x8x128xf32, #tpu.memory_space<hbm>>
        %dma_start3A_49 = tpu.memref_squeeze %dma_start3A_48 : memref<1x50x8x128xf32, #tpu.memory_space<hbm>> -> memref<50x8x128xf32, #tpu.memory_space<hbm>>
        %dma_start3A_50 = arith.constant 0 : i32
        %dma_start3A_51 = arith.constant 0 : i32
        %dma_start3A_52 = arith.constant 0 : i32
        %dma_start3A_53 = tpu.memref_slice %arg4[%add3A_44, %dma_start3A_50, %dma_start3A_51, %dma_start3A_52] : memref<1024x50x8x128xf32, #tpu.memory_space<hbm>> -> memref<1x50x8x128xf32, #tpu.memory_space<hbm>>
        %dma_start3A_54 = tpu.memref_squeeze %dma_start3A_53 : memref<1x50x8x128xf32, #tpu.memory_space<hbm>> -> memref<50x8x128xf32, #tpu.memory_space<hbm>>
        tpu.enqueue_dma source(%arg7 : memref<50x8x128xf32, #tpu.memory_space<vmem>>) target(%dma_start3A_54 : memref<50x8x128xf32, #tpu.memory_space<hbm>>) target_semaphore(%arg11 : memref<!tpu.dma_semaphore, #tpu.memory_space<semaphore_mem>>)
        %dma_wait3A_55 = arith.constant 0 : i32
        %dma_wait3A_56 = arith.constant 0 : i32
        %dma_wait3A_57 = arith.constant 0 : i32
        %dma_wait3A_58 = tpu.memref_slice %arg4[%mul3A_2, %dma_wait3A_55, %dma_wait3A_56, %dma_wait3A_57] : memref<1024x50x8x128xf32, #tpu.memory_space<hbm>> -> memref<1x50x8x128xf32, #tpu.memory_space<hbm>>
        %dma_wait3A_59 = tpu.memref_squeeze %dma_wait3A_58 : memref<1x50x8x128xf32, #tpu.memory_space<hbm>> -> memref<50x8x128xf32, #tpu.memory_space<hbm>>
        %dma_wait3A_60 = arith.constant 0 : i32
        %dma_wait3A_61 = arith.constant 0 : i32
        %dma_wait3A_62 = arith.constant 0 : i32
        %dma_wait3A_63 = tpu.memref_slice %arg4[%mul3A_2, %dma_wait3A_60, %dma_wait3A_61, %dma_wait3A_62] : memref<1024x50x8x128xf32, #tpu.memory_space<hbm>> -> memref<1x50x8x128xf32, #tpu.memory_space<hbm>>
        %dma_wait3A_64 = tpu.memref_squeeze %dma_wait3A_63 : memref<1x50x8x128xf32, #tpu.memory_space<hbm>> -> memref<50x8x128xf32, #tpu.memory_space<hbm>>
        tpu.wait_dma2 semaphore(%arg11 : memref<!tpu.dma_semaphore, #tpu.memory_space<semaphore_mem>>) src(%arg7 : memref<50x8x128xf32, #tpu.memory_space<vmem>>) dst(%dma_wait3A_64 : memref<50x8x128xf32, #tpu.memory_space<hbm>>)
        %add3A_65 = arith.constant 2 : i32
        %add3A_66 = arith.addi %add3A_31, %add3A_65 : i32
        %lt3A_67 = arith.constant 32 : i32
        %lt3A_68 = arith.cmpi slt, %add3A_66, %lt3A_67 : i32
        %convert_element_type3A_69 = arith.extui %lt3A_68 : i1 to i32
        %cond3A_70 = arith.constant 0 : i32
        %cond3A_71 = arith.cmpi ne, %convert_element_type3A_69, %cond3A_70 : i32
        scf.if %cond3A_71 {
          %add3A_72 = arith.constant 2 : i32
          %add3A_73 = arith.addi %add3A_31, %add3A_72 : i32
          %dma_start3A_74 = arith.constant 0 : i32
          %dma_start3A_75 = tpu.memref_slice %arg5[%add3A_73, %dma_start3A_74] : memref<32x50xi32, #tpu.memory_space<vmem>> -> memref<1x50xi32, #tpu.memory_space<vmem>>
          %dma_start3A_76 = tpu.memref_squeeze %dma_start3A_75 : memref<1x50xi32, #tpu.memory_space<vmem>> -> memref<50xi32, #tpu.memory_space<vmem>>
          %dma_start3A_77 = arith.constant 0 : i32
          %dma_start3A_78 = arith.constant 0 : i32
          %dma_start3A_79 = arith.constant 0 : i32
          %dma_start3A_80 = tpu.memref_slice %arg2[%dma_start3A_77, %dma_start3A_78, %dma_start3A_79] : memref<1000x8x128xf32, #tpu.memory_space<hbm>> -> memref<1000x8x128xf32, #tpu.memory_space<hbm>>
          tpu.enqueue_indirect_dma source(%dma_start3A_80 : memref<1000x8x128xf32, #tpu.memory_space<hbm>>) target(%arg7 : memref<50x8x128xf32, #tpu.memory_space<vmem>>) offsets(%dma_start3A_76 : memref<50xi32, #tpu.memory_space<vmem>>) semaphore(%arg9 : memref<!tpu.dma_semaphore, #tpu.memory_space<semaphore_mem>>)
        } else {
        }
      } else {
      }
    }
    %scan3A_22 = arith.constant 16 : i32
    return
  }
}

</mosaic_0001>

<sc_bundles>
// kernel: kernel.3.cloned.1.call-start
scs
__scs_entry_jumppad:
0x0: {  	(pc) =	sbr.rel $0x88, $3  }
0x1: {  	(tag) =	ssettag $0x0;
	lr =	simm.s32 $0x1  }
0x2: {  	[smem:$0x3F9F] =	sst lr;
	_ =	strace $0xD0000000  }
0x3: {  	_ = 	snop  }
0x4: {  	_ = 	snop  }
0x5: {  	_ = 	snop  }
0x6: {  	_ = 	snop  }
0x7: {  	_ = 	snop  }
__scs_overlays_trampoline_lowered:
0x8: {  	[smem:$0x3FAE] =	sst s0  }
0x9: {  	[smem:$0x3FAF] =	sst s1  }
0xa: {  	[smem:$0x3FB0] =	sst s2  }
0xb: {  	[smem:$0x3FB1] =	sst s3  }
0xc: {  	[smem:$0x3FB2] =	sst s4  }
0xd: {  	[smem:$0x3FB3] =	sst s5  }
0xe: {  	[smem:$0x3FB4] =	sst s6  }
0xf: {  	[smem:$0x3FB5] =	sst s7  }
0x10: {  	[smem:$0x3FB6] =	sst s8  }
0x11: {  	[smem:$0x3FB7] =	sst s9;
	s0 =	simm.s32 @!p0 $0x0  }
0x12: {  	s1 =	sld [smem:$0x3F9D];
	s0 =	simm.s32 @p0 $0x1  }
0x13: {  	[smem:$0x3FB8] =	sst s0;
	s0 =	simm.s32 @!p1 $0x0  }
0x14: {  	s2 =	sld [smem:$0x3F9C];
	s0 =	simm.s32 @p1 $0x1  }
0x15: {  	[smem:$0x3FB9] =	sst s0;
	s0 =	simm.s32 @!p2 $0x0  }
0x16: {  	s3 =	sld [smem:$0x3FDB];
	s0 =	simm.s32 @p2 $0x1  }
0x17: {  	s4 =	simm.s32 $0x1BF5;
	[smem:$0x3FBB] =	sst s0  }
0x18: {  	s0 =	sld [smem:$0x3F9E];
	_ =	swait.ge [sflag:s4], $0x0  }
0x19: {  	s7 =	sld [smem:$0x3F9F]  }
0x1a: {  	s8 =	sadd.s32 $0xFFFFE003, lr  }
0x1b: {  	s9 =	sadd.s32 $0xFFFFFEF7, lr;
	s5 =	simm.s32 $0xFFFFFFFF;
	p2 =	slt.u32 s8, $0xFFFFF086  }
0x1c: {  	p1 =	slt.u32 s9, $0xF7A;
	s5 =	simm.s32 @!p2 $0x0  }
0x1d: {  	s5 =	simm.s32 @p1 $0x1;
	p0 =	seq.s32 s7, s2  }
0x1e: {  	s7 =	smul.u32 @!p0 $0xF7A, s2;
	p2 =	seq.s32 @!p0 s5, $0x0  }
0x1f: {  	s9 =	smul.u32 $0xF7A, s1;
	s8 =	simm.s32 @!p0 $0x1BF5;
	p2 =	por !p2, p0  }
0x20: {  	[sflag:s8] =	ssyncset.s32 @!p0 $0xFFFFF086;
	s6 =	sadd.s32 @!p0 s3, s7;
	s7 =	simm.s32 @!p0 $0x108  }
0x21: {  	s3 =	sadd.s32 s3, s9;
	s6 =	sadd.s32 @!p0 $0x88, s6;
	s7 =	simm.s32 @p2 $0x1082  }
0x22: {  	[simem:s7], [sflag:s8] =	dma.local @!p0 [hbm:s6], $0xF7A  }
0x23: {  	s9 =	sor.u32 $0xD0000000, s2;
	s6 =	simm.s32 $0x108;
	_ =	swait.ge @!p0 [sflag:s8], $0x0  }
0x24: {  	s3 =	sadd.s32 $0x88, s3;
	s6 =	simm.s32 @!p1 $0x1082;
	[sflag:s4] =	ssyncset.s32 $0xFFFFF086  }
0x25: {  	[simem:s6], [sflag:s4] =	dma.local [hbm:s3], $0xF7A  }
0x26: {  	[smem:$0x3F9F] =	sst s1;
	(tag) =	ssettag s2;
	_ =	strace s9  }
0x27: {  	s1 =	sld [smem:$0x3FAF]  }
0x28: {  	s2 =	sld [smem:$0x3FB0]  }
0x29: {  	s4 =	sld [smem:$0x3FB2]  }
0x2a: {  	p0 =	seq.s32 s5, $0x0;
	s5 =	sld [smem:$0x3FB3]  }
0x2b: {  	s6 =	sld [smem:$0x3FB4]  }
0x2c: {  	s7 =	sld [smem:$0x3FB5]  }
0x2d: {  	s3 =	simm.s32 $0x108;
	s8 =	sld [smem:$0x3FB6]  }
0x2e: {  	s3 =	simm.s32 @!p0 $0x1082;
	s9 =	sld [smem:$0x3FB7]  }
0x2f: {  	lr =	sadd.s32 s0, s3;
	s0 =	sld [smem:$0x3FAE]  }
0x30: {  	s3 =	sld [smem:$0x3FB1]  }
0x31: {  	[smem:$0x3FBA] =	sst s10  }
0x32: {  	s10 =	sld [smem:$0x3FB8];
	_ =	sdelay $0x3  }
0x33: {  	p0 =	seq.s32 s10, $0x1;
	s10 =	sld [smem:$0x3FBA];
	_ =	sdelay $0x3  }
0x34: {  	[smem:$0x3FBA] =	sst s10  }
0x35: {  	s10 =	sld [smem:$0x3FB9];
	_ =	sdelay $0x3  }
0x36: {  	p1 =	seq.s32 s10, $0x1;
	s10 =	sld [smem:$0x3FBA];
	_ =	sdelay $0x3  }
0x37: {  	[smem:$0x3FBA] =	sst s10  }
0x38: {  	s10 =	sld [smem:$0x3FBB]  }
0x39: {  	_ = 	snop;
	(pc) =	sbr.ind lr, $3  }
0x3a: {  	_ = 	snop  }
0x3b: {  	_ = 	snop  }
0x3c: {  	p2 =	seq.s32 s10, $0x1;
	s10 =	sld [smem:$0x3FBA]  }
0x3d: {  	_ =	shalt  }
0x3e: {  	_ =	shalt  }
0x3f: {  	_ =	shalt  }
0x40: {  	_ =	shalt  }
0x41: {  	_ =	shalt  }
0x42: {  	_ =	shalt  }
0x43: {  	_ =	shalt  }
0x44: {  	_ =	shalt  }
0x45: {  	_ =	shalt  }
0x46: {  	_ =	shalt  }
0x47: {  	_ =	shalt  }
0x48: {  	_ =	shalt  }
0x49: {  	_ =	shalt  }
0x4a: {  	_ =	shalt  }
0x4b: {  	_ =	shalt  }
0x4c: {  	_ =	shalt  }
0x4d: {  	_ =	shalt  }
0x4e: {  	_ =	shalt  }
0x4f: {  	_ =	shalt  }
0x50: {  	_ =	shalt  }
0x51: {  	_ =	shalt  }
0x52: {  	_ =	shalt  }
0x53: {  	_ =	shalt  }
0x54: {  	_ =	shalt  }
0x55: {  	_ =	shalt  }
0x56: {  	_ =	shalt  }
0x57: {  	_ =	shalt  }
0x58: {  	_ =	shalt  }
0x59: {  	_ =	shalt  }
0x5a: {  	_ =	shalt  }
0x5b: {  	_ =	shalt  }
0x5c: {  	_ =	shalt  }
0x5d: {  	_ =	shalt  }
0x5e: {  	_ =	shalt  }
0x5f: {  	_ =	shalt  }
0x60: {  	_ =	shalt  }
0x61: {  	_ =	shalt  }
0x62: {  	_ =	shalt  }
0x63: {  	_ =	shalt  }
0x64: {  	_ =	shalt  }
0x65: {  	_ =	shalt  }
0x66: {  	_ =	shalt  }
0x67: {  	_ =	shalt  }
0x68: {  	_ =	shalt  }
0x69: {  	_ =	shalt  }
0x6a: {  	_ =	shalt  }
0x6b: {  	_ =	shalt  }
0x6c: {  	_ =	shalt  }
0x6d: {  	_ =	shalt  }
0x6e: {  	_ =	shalt  }
0x6f: {  	_ =	shalt  }
0x70: {  	_ =	shalt  }
0x71: {  	_ =	shalt  }
0x72: {  	_ =	shalt  }
0x73: {  	_ =	shalt  }
0x74: {  	_ =	shalt  }
0x75: {  	_ =	shalt  }
0x76: {  	_ =	shalt  }
0x77: {  	_ =	shalt  }
0x78: {  	_ =	shalt  }
0x79: {  	_ =	shalt  }
0x7a: {  	_ =	shalt  }
0x7b: {  	_ =	shalt  }
0x7c: {  	_ =	shalt  }
0x7d: {  	_ =	shalt  }
0x7e: {  	_ =	shalt  }
0x7f: {  	_ =	shalt  }
0x80: {  	_ =	shalt  }
0x81: {  	_ =	shalt  }
0x82: {  	_ =	shalt  }
0x83: {  	_ =	shalt  }
0x84: {  	_ =	shalt  }
0x85: {  	_ =	shalt  }
0x86: {  	_ =	shalt  }
0x87: {  	_ =	shalt  }
.Lfunc_end0:
.L_simem_size_0:
called_computation_lowered:
.L_overlay_start_0:
0x88: {  	s2 =	sld [smem:$0x3FD9]  }
0x89: {  	s3 =	sld [smem:$0x3FFE];
	_ =	sdelay $0x1  }
0x8a: {  	s1 =	srdreg.scid  }
0x8b: {  	s0 =	sand.u32 $0x1, s1  }
0x8c: {  	s17 =	sshll.u32 s0, $0xA;
	s2 =	sadd.s32 s3, s2  }
0x8d: {  	s2 =	sadd.s32 s2, s17  }
0x8e: {  	[smem:$0x3FC6] =	sst s2  }
0x8f: {  	_ = 	snop  }
0x90: {  	s2 =	sld [smem:$0x3FD0];
	(tm) =	ssettm $0x1  }
0x91: {  	s18 =	sld [smem:$0x3FFB];
	_ =	sdelay $0x3  }
0x92: {  	_ =	strace s18  }
0x93: {  	s3 =	sld [smem:$0x3FFC];
	_ =	sdelay $0x3  }
0x94: {  	_ =	strace s3  }
0x95: {  	s3 =	sld [smem:$0x3FFD];
	_ =	sdelay $0x3  }
0x96: {  	_ =	strace s3  }
0x97: {  	_ =	strace $0x8FFFFFFF  }
0x98: {  	s19 =	sld [smem:$0x3FDB];
	_ =	sdelay $0x1  }
0x99: {  	s4 =	simm.s32 $_scs_section_size  }
0x9a: {  	s5 =	simm.s32 $_size__tile_overlayer_lowered;
	s6 =	simm.s32 $_tile_overlayer_lowered  }
0x9b: {  	s22 =	simm.s32 $0x1BFF;
	s21 =	sshll.u32 s6, $0x1;
	s3 =	sadd.s32 s4, s19  }
0x9c: {  	s7 =	simm.s32 $0x0;
	s20 =	sshll.u32 s5, $0x1;
	s5 =	sadd.s32 s21, s3  }
0x9d: {  	[timem:s7], [sflag:s22] =	dma.local [hbm:s5], s20  }
0x9e: {  	_ =	swait.ge [sflag:s22], s20  }
0x9f: {  	s4 =	ssub.s32 $0x0, s20;
	[sflag:s22] =	ssyncset.done $0x0  }
0xa0: {  	[sflag:s22] =	ssyncadd.s32 s4;
	_ =	sdelay $0x1  }
0xa1: {  	s23 =	simm.s32 $0x1B8B  }
0xa2: {  	_ =	swait.ge [sflag:s23], $0x1  }
0xa3: {  	[sflag:s23] =	ssyncset.done $0x0  }
0xa4: {  	s25 =	simm.s32 $0x1B8E;
	s24 =	sld [smem:$0x3FFE];
	[sflag:s23] =	ssyncadd.s32 $0xFFFFFFFF  }
0xa5: {  	s26 =	simm.s32 $execute0_lowered;
	[smem:$0x3FD2] =	sst s25  }
0xa6: {  	s5 =	sshll.u32 s26, $0x1;
	_ =	strace $0x80000046;
	[dreg:$0x1] =	wrdreg $0xFFFFFFFF  }
0xa7: {  	s28 =	simm.s32 $_size_execute0_lowered;
	s3 =	sadd.s32 s3, s5;
	[dreg:$0x0] =	wrdreg $0x0  }
0xa8: {  	s5 =	sshll.u32 s28, $0x1;
	[dreg:$0x2] =	wrdreg s3  }
0xa9: {  	[dreg:$0x3] =	wrdreg s5  }
0xaa: {  	[dreg:$0x4] =	wrdreg $0xC0  }
0xab: {  	_ =	task [dreg:s7], $0x5FFFF  }
0xac: {  	[dreg:$0x1] =	wrdreg $0xFFFFFFFF  }
0xad: {  	[dreg:$0x0] =	wrdreg $0x60  }
0xae: {  	[dreg:$0x2] =	wrdreg s2  }
0xaf: {  	[dreg:$0x3] =	wrdreg s24  }
0xb0: {  	[dreg:$0x4] =	wrdreg $0x9  }
0xb1: {  	_ =	task.clear_ibuf [dreg:s7], $0x5FFFF;
	_ =	strace $0x90000046  }
0xb2: {  	s29 =	simm.s32 $0x9;
	_ =	strace $0x80000048  }
0xb3: {  	_ =	swait.ge [sflag:s29], $0x1  }
0xb4: {  	[sflag:s29] =	ssyncadd.s32 $0xFFFFFFFF  }
0xb5: {  	_ =	strace $0x90000048  }
0xb6: {  	_ =	sfence  }
0xb7: {  	s30 =	sld [smem:$0x0];
	_ =	sdelay $0x2  }
0xb8: {  	s31 =	sshll.u32 s1, $0xD;
	s1 =	sshrl.u32 s1, $0x2  }
0xb9: {  	s3 =	sand.u32 $0x4000, s31;
	s1 =	sadd.s32 s1, s30  }
0xba: {  	s0 =	sor.u32 s3, s0;
	s1 =	sshll.u32 s1, $0x11  }
0xbb: {  	s0 =	sor.u32 s1, s0  }
0xbc: {  	s0 =	sadd.s32 $0x8F2B, s0  }
0xbd: {  	[sflag:s0] =	ssyncadd.remote.s32 $0x1  }
0xbe: {  	_ =	sfence.sel $0xFFFF  }
0xbf: {  	[dreg:$0x0] =	wrdreg $0xFFFFFFFF;
	(pc) =	sbr.abs _section_cstart, $3  }
0xc0: {  	[dreg:$0x1] =	wrdreg $0xFFFFFFFF  }
0xc1: {  	_ =	task.clear_ibuf [dreg:s7], $0x2FFFF;
	_ =	strace $0x9FFFFFFF  }
0xc2: {  	(tm) =	ssettm $0x7FFFFFFF  }
0xc3: {  	_ =	shalt  }
tec
execute0_lowered:
.L_overlay_start_1:
0x0: {  	(tag) =	ssettag $0x1  }
0x1: {  	s2 =	rddreg [dreg:$0x0]  }
0x2: {  	s4 =	rddreg [dreg:$0x1]  }
0x3: {  	s0 =	rddreg [dreg:$0x2];
	s5 =	srdreg.scid  }
0x4: {  	s1 =	stileid.u32;
	s3 =	simm.s32 $0x0;
	s12 =	simm.s32 $0x80  }
0x5: {  	s13 =	simm.s32 $0xD800;
	s14 =	simm.s32 $0x1;
	s15 =	simm.s32 $0x3  }
0x6: {  	s16 =	simm.s32 $0x2;
	s17 =	simm.s32 $0x4;
	s18 =	simm.s32 $0x0  }
0x7: {  	s5 =	sand.u32 $0x1, s5;
	s6 =	sshll.u32 s1, $0x1;
	[smem:$0x7FF] =	sst s3  }
0x8: {  	s10 =	sadd.s32 $0x4400, s4;
	s29 =	smul.u32 $0x64000, s1;
	s6 =	sor.u32 s5, s6  }
0x9: {  	_ =	strace $0x80000047;
	s8 =	ssub.s32 $0x2, s5;
	s11 =	smul.u32 $0x32000, s5  }
0xa: {  	s7 =	sshll.u32 s6, $0x9;
	s9 =	sshrl.u32 s8, $0x1;
	s6 =	smul.u32 $0x32000, s6  }
0xb: {  	s31 =	sadd.s32 s29, s10;
	s7 =	sadd.s32 s7, s4;
	s8 =	ssub.s32 s8, s9  }
0xc: {  	s9 =	simm.s32 $0x5;
	s4 =	sadd.s32 $0x400, s7;
	s30 =	sadd.s32 s10, s6  }
0xd: {  	s5 =	smax.u32 s8, $0x1;
	s8 =	sadd.s32 s11, s31;
	s10 =	simm.s32 $0x32  }
0xe: {  	s11 =	simm.s32 $0x1000;
	s6 =	sadd.s32 $0x2EE00, s30;
	s7 =	sadd.s32 $0x30700, s30  }
.LBB2_1:
0xf: {  	[tilespmem:s3], [sflag:$0x5] =	stream.linear.gather [hbm4b:s4+s3], $0x1000, $0x38;
	[tilespmem:$0x1A000] =	vst v63  }
0x10: {  	_ =	swait.ge [sflag:s9], $0x1000  }
0x11: {  	[sflag:s9] =	ssyncset.done $0x0  }
0x12: {  	[sflag:s9] =	ssyncadd.s32 $0xFFFFF000  }
0x13: {  	[tilespmem:s11], [sflag:$0x1] =	stream.indirect.gather [hbm4b:s2+s10], $0x400, s3, s10, $0xb8;
	[tilespmem:$0x1A000] =	vst v63  }
0x14: {  	_ = 	snop  }
0x15: {  	[tilespmem:s13], [sflag:$0x2] =	stream.indirect.gather [hbm4b:s2+s10], $0x400, s12, s10, $0xb8;
	[tilespmem:$0x1A000] =	vst v63  }
0x16: {  	_ =	swait.ge [sflag:s14], $0xC800  }
0x17: {  	[sflag:s14] =	ssyncset.done $0x0  }
0x18: {  	s19 =	sadd.s32 $0x0, s8;
	[sflag:s14] =	ssyncadd.s32 $0xFFFF3800  }
0x19: {  	[hbm4b:s19+s3] =	stream.linear.scatter [tilespmem:s11], [sflag:$0x3], $0xC800, $0x38;
	[tilespmem:$0x1A000] =	vst v63  }
0x1a: {  	_ =	swait.ge [sflag:s15], $0xC800  }
0x1b: {  	[sflag:s15] =	ssyncset.done $0x0  }
0x1c: {  	s20 =	simm.s32 $0x100;
	[sflag:s15] =	ssyncadd.s32 $0xFFFF3800  }
0x1d: {  	[tilespmem:s11], [sflag:$0x1] =	stream.indirect.gather [hbm4b:s2+s10], $0x400, s20, s10, $0xb8;
	[tilespmem:$0x1A000] =	vst v63  }
0x1e: {  	_ =	swait.ge [sflag:s16], $0xC800  }
0x1f: {  	[sflag:s16] =	ssyncset.done $0x0  }
0x20: {  	s19 =	sadd.s32 $0x1900, s19;
	[sflag:s16] =	ssyncadd.s32 $0xFFFF3800  }
0x21: {  	[hbm4b:s19+s3] =	stream.linear.scatter [tilespmem:s13], [sflag:$0x4], $0xC800, $0x38;
	[tilespmem:$0x1A000] =	vst v63  }
0x22: {  	_ =	swait.ge [sflag:s17], $0xC800  }
0x23: {  	s21 =	simm.s32 $0x280;
	[sflag:s17] =	ssyncset.done $0x0  }
0x24: {  	s20 =	simm.s32 $0x3200;
	s19 =	simm.s32 $0x180;
	[sflag:s17] =	ssyncadd.s32 $0xFFFF3800  }
.LBB2_2:
0x25: {  	[tilespmem:s13], [sflag:$0x2] =	stream.indirect.gather [hbm4b:s2+s10], $0x400, s19, s10, $0xb8;
	[tilespmem:$0x1A000] =	vst v63  }
0x26: {  	s22 =	smov.u32 s20;
	s19 =	smov.u32 s21  }
0x27: {  	p0 =	sne.s32 s20, $0x2BC00;
	s20 =	sadd.s32 $0x3200, s20;
	_ =	swait.ge [sflag:s14], $0xC800  }
0x28: {  	[sflag:s14] =	ssyncset.done $0x0  }
0x29: {  	s22 =	sadd.s32 s22, s8;
	[sflag:s14] =	ssyncadd.s32 $0xFFFF3800  }
0x2a: {  	[hbm4b:s22+s3] =	stream.linear.scatter [tilespmem:s11], [sflag:$0x3], $0xC800, $0x38;
	[tilespmem:$0x1A000] =	vst v63  }
0x2b: {  	_ =	swait.ge [sflag:s15], $0xC800  }
0x2c: {  	[sflag:s15] =	ssyncset.done $0x0  }
0x2d: {  	s23 =	sadd.s32 $0xFFFFFF80, s21;
	[sflag:s15] =	ssyncadd.s32 $0xFFFF3800  }
0x2e: {  	[tilespmem:s11], [sflag:$0x1] =	stream.indirect.gather [hbm4b:s2+s10], $0x400, s23, s10, $0xb8;
	[tilespmem:$0x1A000] =	vst v63  }
0x2f: {  	_ =	swait.ge [sflag:s16], $0xC800  }
0x30: {  	[sflag:s16] =	ssyncset.done $0x0  }
.Ltmp0:
0x31: {  	s22 =	sadd.s32 $0x1900, s22;
	[sflag:s16] =	ssyncadd.s32 $0xFFFF3800;
	(pc) =	sbr.rel @p0 .LBB2_2-.Ltmp0, $4  }
0x32: {  	[hbm4b:s22+s3] =	stream.linear.scatter [tilespmem:s13], [sflag:$0x4], $0xC800, $0x38;
	[tilespmem:$0x1A000] =	vst v63  }
0x33: {  	_ =	swait.ge [sflag:s17], $0xC800  }
0x34: {  	[sflag:s17] =	ssyncset.done $0x0  }
0x35: {  	s21 =	sadd.s32 $0x100, s21;
	[sflag:s17] =	ssyncadd.s32 $0xFFFF3800  }
0x36: {  	[tilespmem:s13], [sflag:$0x2] =	stream.indirect.gather [hbm4b:s2+s10], $0x400, s19, s10, $0xb8;
	[tilespmem:$0x1A000] =	vst v63  }
0x37: {  	_ =	swait.ge [sflag:s14], $0xC800  }
0x38: {  	[sflag:s14] =	ssyncset.done $0x0  }
0x39: {  	[sflag:s14] =	ssyncadd.s32 $0xFFFF3800  }
0x3a: {  	[hbm4b:s6+s3] =	stream.linear.scatter [tilespmem:s11], [sflag:$0x3], $0xC800, $0x38;
	[tilespmem:$0x1A000] =	vst v63  }
0x3b: {  	_ =	swait.ge [sflag:s15], $0xC800  }
0x3c: {  	[sflag:s15] =	ssyncset.done $0x0  }
0x3d: {  	[sflag:s15] =	ssyncadd.s32 $0xFFFF3800  }
0x3e: {  	s18 =	sadd.s32 $0x1, s18;
	_ =	swait.ge [sflag:s16], $0xC800  }
0x3f: {  	p0 =	sne.s32 s18, s5;
	[sflag:s16] =	ssyncset.done $0x0  }
.Ltmp1:
0x40: {  	[sflag:s16] =	ssyncadd.s32 $0xFFFF3800;
	(pc) =	sbr.rel @p0 .LBB2_1-.Ltmp1, $4  }
0x41: {  	[hbm4b:s7+s3] =	stream.linear.scatter [tilespmem:s13], [sflag:$0x4], $0xC800, $0x38;
	[tilespmem:$0x1A000] =	vst v63  }
0x42: {  	_ =	swait.ge [sflag:s17], $0xC800  }
0x43: {  	[sflag:s17] =	ssyncset.done $0x0  }
0x44: {  	[sflag:s17] =	ssyncadd.s32 $0xFFFF3800  }
0x45: {  	_ =	sfence.sel $0x180000  }
0x46: {  	[bflag:$0x0] =	sbarrier.arrive $0xFFFF  }
0x47: {  	p0 =	sne.s32 s1, $0x0;
	_ =	strace $0x90000047  }
0x48: {  	s0 =	sadd.s32 @!p0 $0x100000, s0;
	[bflag:$0x2] =	sbarrier.arrive $0xFFFF  }
0x49: {  	[sflag:s0] =	ssyncadd.tile.s32 @!p0 $0x1;
	_ =	shalt  }
.Lfunc_end2:
_tile_overlayer_lowered:
.L_overlay_start_2:
0x4a: {  	(tag) =	ssettag $0x2  }
0x4b: {  	s0 =	rddreg [dreg:$0x0];
	s2 =	stileid.u32  }
0x4c: {  	s1 =	rddreg [dreg:$0x1];
	p0 =	sne.s32 s2, $0x0  }
0x4d: {  	s3 =	rddreg [dreg:$0x2];
	[bflag:$0x3] =	sbarrier.arrive $0xFFFF;
	s2 =	simm.s32 @!p0 $0x1C05  }
0x4e: {  	[timem:s3], [sflag:s2] =	dma.local @!p0 [hbm:s0], s1  }
0x4f: {  	s0 =	simm.s32 @!p0 $0x5  }
0x50: {  	_ =	swait.ge @!p0 [sflag:s0], s1  }
0x51: {  	s1 =	ssub.s32 @!p0 $0x0, s1;
	[sflag:s0] =	ssyncset.done @!p0 $0x0  }
0x52: {  	[sflag:s0] =	ssyncadd.s32 @!p0 s1  }
0x53: {  	[bflag:$0x3] =	sbarrier.arrive $0xFFFF  }
0x54: {  	_ =	shalt  }

</sc_bundles>
